<compile_context>
chip_gen: v7x
topology: tpu7x:2x2x1
jax: 0.10.2.dev20260603
libtpu: 0.0.44.dev20260713+nightly
codegen_flags: <defaults>
</compile_context>

<pallas_src>
import functools

import jax
import jax.numpy as jnp
from jax import lax
from jax.experimental import pallas as pl
from jax.experimental.pallas import tpu as pltpu
from jax.experimental.pallas import tpu_sc as plsc

_NC = 2
_NS = 16
_NW = _NC * _NS
_C = 128
_NBUF = 2


@functools.cache
def _make_gather(B, V, D):
    BPW = B // _NW
    NCHUNK = BPW // _C
    mesh = plsc.VectorSubcoreMesh(core_axis_name="c", subcore_axis_name="s")

    @functools.partial(
        pl.kernel,
        out_type=jax.ShapeDtypeStruct((B, D), jnp.float32),
        mesh=mesh,
        scratch_types=[
            pltpu.VMEM((NCHUNK, _C), jnp.int32),
            pltpu.VMEM((_NBUF, _C, D), jnp.float32),
            [pltpu.SemaphoreType.DMA] * _NBUF,
        ],
    )
    def gather_kernel(idx_hbm, table_hbm, out_hbm, idx_v, rows_v, gsems):
        wid = lax.axis_index("s") * _NC + lax.axis_index("c")
        base = wid * BPW
        pltpu.sync_copy(idx_hbm.at[wid], idx_v)

        for b in range(_NBUF):
            pltpu.async_copy(table_hbm.at[idx_v.at[b]], rows_v.at[b], gsems[b])

        def outer(i, carry):
            g0 = i * _NBUF
            for b in range(_NBUF):
                g = g0 + b
                pltpu.make_async_copy(
                    table_hbm.at[idx_v.at[g]], rows_v.at[b], gsems[b]
                ).wait()
                pltpu.sync_copy(rows_v.at[b], out_hbm.at[pl.ds(base + g * _C, _C)])
                ng = g + _NBUF

                @pl.when(ng < NCHUNK)
                def _():
                    pltpu.async_copy(
                        table_hbm.at[idx_v.at[ng]], rows_v.at[b], gsems[b]
                    )

            return carry

        lax.fori_loop(0, NCHUNK // _NBUF, outer, 0)

    return gather_kernel


def kernel(x, table):
    B0, B1 = x.shape
    V, D = table.shape
    B = B0 * B1
    idx = x.reshape(_NW, (B // _NW) // _C, _C).astype(jnp.int32)
    out = _make_gather(B, V, D)(idx, table)
    return out.reshape(B0, B1, D)

# --- scband reference (transcript-rebuilt; emitter-appended) ---
"""Pipeline reference for scband-embedding-layer-10866267259034 (READ-ONLY COPY).

The authoritative reference and input builder live on the scoring server;
editing this copy changes nothing except your own understanding.
"""

import jax, jax.numpy as jnp
import numpy as np

NB_TOKEN = 1000000
EMBED_DIM = 256

def setup_inputs(seed: int = 0) -> dict:
    key = jax.random.key(seed)
    k1, k2 = jax.random.split(key)
    x = jax.random.randint(k1, (4096, 200), 0, NB_TOKEN, dtype=jnp.int64 if jax.config.jax_enable_x64 else jnp.int32)
    table = jax.random.normal(k2, (NB_TOKEN, EMBED_DIM), dtype=jnp.float32) * 0.05
    return {"x": x, "table": table}

def reference(x, table):
    # Faithful translation of keras Embedding lookup: embedded = table[x]
    embedded = jnp.take(table, x, axis=0)
    return embedded

if __name__ == "__main__":
    import jax
    _d = setup_inputs()
    print(jax.jit(kernel)(*tuple(_d.values())))

</pallas_src>

<mosaic_0001>
#map = affine_map<(d0, d1) -> (0, 0, 0)>
#map1 = affine_map<(d0, d1) -> (0, 0)>
module attributes {stable_mosaic.version = 14 : i64} {
  func.func @gather_kernel(%arg0: i32, %arg1: i32, %arg2: memref<32x200x128xi32, #tpu.memory_space<hbm>>, %arg3: memref<1000000x256xf32, #tpu.memory_space<hbm>>, %arg4: memref<819200x256xf32, #tpu.memory_space<hbm>>, %arg5: memref<200x128xi32, #tpu.memory_space<vmem>>, %arg6: memref<2x128x256xf32, #tpu.memory_space<vmem>>, %arg7: memref<!tpu.dma_semaphore, #tpu.memory_space<semaphore_mem>>, %arg8: memref<!tpu.dma_semaphore, #tpu.memory_space<semaphore_mem>>) attributes {dimension_semantics = [#tpu.dimension_semantics<core_parallel>, #tpu.dimension_semantics<subcore_parallel>], iteration_bounds = array<i64: 2, 16>, scalar_prefetch = 0 : i64, scratch_operands = 4 : i64, tpu.core_type = #tpu.core_type<sc_vector_subcore>, window_params = [{transform_indices = #map}, {transform_indices = #map1}, {transform_indices = #map1}]} {
    %mul3A = arith.constant 2 : i32
    %mul3A_0 = arith.muli %arg1, %mul3A : i32
    %add3A = arith.addi %mul3A_0, %arg0 : i32
    %mul3A_1 = arith.constant 25600 : i32
    %mul3A_2 = arith.muli %add3A, %mul3A_1 : i32
    "tpu.region"() ({
      %run_scoped3A = tpu.sem_alloc : memref<!tpu.dma_semaphore, #tpu.memory_space<semaphore_mem>>
      %dma_start3A_31 = arith.constant 0 : i32
      %dma_start3A_32 = arith.constant 0 : i32
      %dma_start3A_33 = tpu.memref_slice %arg2[%add3A, %dma_start3A_31, %dma_start3A_32] : memref<32x200x128xi32, #tpu.memory_space<hbm>> -> memref<1x200x128xi32, #tpu.memory_space<hbm>>
      %dma_start3A_34 = tpu.memref_squeeze %dma_start3A_33 : memref<1x200x128xi32, #tpu.memory_space<hbm>> -> memref<200x128xi32, #tpu.memory_space<hbm>>
      %dma_start3A_35 = arith.constant 0 : i32
      %dma_start3A_36 = arith.constant 0 : i32
      %dma_start3A_37 = tpu.memref_slice %arg2[%add3A, %dma_start3A_35, %dma_start3A_36] : memref<32x200x128xi32, #tpu.memory_space<hbm>> -> memref<1x200x128xi32, #tpu.memory_space<hbm>>
      %dma_start3A_38 = tpu.memref_squeeze %dma_start3A_37 : memref<1x200x128xi32, #tpu.memory_space<hbm>> -> memref<200x128xi32, #tpu.memory_space<hbm>>
      tpu.enqueue_dma source(%dma_start3A_38 : memref<200x128xi32, #tpu.memory_space<hbm>>) target(%arg5 : memref<200x128xi32, #tpu.memory_space<vmem>>) target_semaphore(%run_scoped3A : memref<!tpu.dma_semaphore, #tpu.memory_space<semaphore_mem>>)
      %dma_wait3A = arith.constant 0 : i32
      %dma_wait3A_39 = arith.constant 0 : i32
      %dma_wait3A_40 = tpu.memref_slice %arg2[%add3A, %dma_wait3A, %dma_wait3A_39] : memref<32x200x128xi32, #tpu.memory_space<hbm>> -> memref<1x200x128xi32, #tpu.memory_space<hbm>>
      %dma_wait3A_41 = tpu.memref_squeeze %dma_wait3A_40 : memref<1x200x128xi32, #tpu.memory_space<hbm>> -> memref<200x128xi32, #tpu.memory_space<hbm>>
      %dma_wait3A_42 = arith.constant 0 : i32
      %dma_wait3A_43 = arith.constant 0 : i32
      %dma_wait3A_44 = tpu.memref_slice %arg2[%add3A, %dma_wait3A_42, %dma_wait3A_43] : memref<32x200x128xi32, #tpu.memory_space<hbm>> -> memref<1x200x128xi32, #tpu.memory_space<hbm>>
      %dma_wait3A_45 = tpu.memref_squeeze %dma_wait3A_44 : memref<1x200x128xi32, #tpu.memory_space<hbm>> -> memref<200x128xi32, #tpu.memory_space<hbm>>
      tpu.wait_dma2 semaphore(%run_scoped3A : memref<!tpu.dma_semaphore, #tpu.memory_space<semaphore_mem>>) src(%dma_wait3A_45 : memref<200x128xi32, #tpu.memory_space<hbm>>) dst(%arg5 : memref<200x128xi32, #tpu.memory_space<vmem>>)
      tpu.yield
    }) : () -> ()
    %dma_start3A = arith.constant 0 : i32
    %dma_start3A_3 = arith.constant 0 : i32
    %dma_start3A_4 = arith.constant 0 : i32
    %dma_start3A_5 = arith.constant 0 : i32
    %dma_start3A_6 = tpu.memref_slice %arg6[%dma_start3A_3, %dma_start3A_4, %dma_start3A_5] : memref<2x128x256xf32, #tpu.memory_space<vmem>> -> memref<1x128x256xf32, #tpu.memory_space<vmem>>
    %dma_start3A_7 = tpu.memref_squeeze %dma_start3A_6 : memref<1x128x256xf32, #tpu.memory_space<vmem>> -> memref<128x256xf32, #tpu.memory_space<vmem>>
    %dma_start3A_8 = arith.constant 0 : i32
    %dma_start3A_9 = tpu.memref_slice %arg5[%dma_start3A, %dma_start3A_8] : memref<200x128xi32, #tpu.memory_space<vmem>> -> memref<1x128xi32, #tpu.memory_space<vmem>>
    %dma_start3A_10 = tpu.memref_squeeze %dma_start3A_9 : memref<1x128xi32, #tpu.memory_space<vmem>> -> memref<128xi32, #tpu.memory_space<vmem>>
    %dma_start3A_11 = arith.constant 0 : i32
    %dma_start3A_12 = arith.constant 0 : i32
    %dma_start3A_13 = tpu.memref_slice %arg3[%dma_start3A_11, %dma_start3A_12] : memref<1000000x256xf32, #tpu.memory_space<hbm>> -> memref<1000000x256xf32, #tpu.memory_space<hbm>>
    tpu.enqueue_indirect_dma source(%dma_start3A_13 : memref<1000000x256xf32, #tpu.memory_space<hbm>>) target(%dma_start3A_7 : memref<128x256xf32, #tpu.memory_space<vmem>>) offsets(%dma_start3A_10 : memref<128xi32, #tpu.memory_space<vmem>>) semaphore(%arg7 : memref<!tpu.dma_semaphore, #tpu.memory_space<semaphore_mem>>)
    %dma_start3A_14 = arith.constant 1 : i32
    %dma_start3A_15 = arith.constant 1 : i32
    %dma_start3A_16 = arith.constant 0 : i32
    %dma_start3A_17 = arith.constant 0 : i32
    %dma_start3A_18 = tpu.memref_slice %arg6[%dma_start3A_15, %dma_start3A_16, %dma_start3A_17] : memref<2x128x256xf32, #tpu.memory_space<vmem>> -> memref<1x128x256xf32, #tpu.memory_space<vmem>>
    %dma_start3A_19 = tpu.memref_squeeze %dma_start3A_18 : memref<1x128x256xf32, #tpu.memory_space<vmem>> -> memref<128x256xf32, #tpu.memory_space<vmem>>
    %dma_start3A_20 = arith.constant 0 : i32
    %dma_start3A_21 = tpu.memref_slice %arg5[%dma_start3A_14, %dma_start3A_20] : memref<200x128xi32, #tpu.memory_space<vmem>> -> memref<1x128xi32, #tpu.memory_space<vmem>>
    %dma_start3A_22 = tpu.memref_squeeze %dma_start3A_21 : memref<1x128xi32, #tpu.memory_space<vmem>> -> memref<128xi32, #tpu.memory_space<vmem>>
    %dma_start3A_23 = arith.constant 0 : i32
    %dma_start3A_24 = arith.constant 0 : i32
    %dma_start3A_25 = tpu.memref_slice %arg3[%dma_start3A_23, %dma_start3A_24] : memref<1000000x256xf32, #tpu.memory_space<hbm>> -> memref<1000000x256xf32, #tpu.memory_space<hbm>>
    tpu.enqueue_indirect_dma source(%dma_start3A_25 : memref<1000000x256xf32, #tpu.memory_space<hbm>>) target(%dma_start3A_19 : memref<128x256xf32, #tpu.memory_space<vmem>>) offsets(%dma_start3A_22 : memref<128xi32, #tpu.memory_space<vmem>>) semaphore(%arg8 : memref<!tpu.dma_semaphore, #tpu.memory_space<semaphore_mem>>)
    %scan3A = arith.constant 0 : i32
    %scan3A_26 = arith.constant 0 : i32
    %scan3A_27 = arith.constant 100 : i32
    %scan3A_28 = arith.addi %scan3A_26, %scan3A_27 : i32
    %scan3A_29 = arith.constant 1 : i32
    scf.for %scan3A_31 = %scan3A_26 to %scan3A_28 step %scan3A_29  : i32 {
      %mul3A_32 = arith.constant 2 : i32
      %mul3A_33 = arith.muli %scan3A_31, %mul3A_32 : i32
      %add3A_34 = arith.constant 0 : i32
      %add3A_35 = arith.addi %mul3A_33, %add3A_34 : i32
      %dma_wait3A = arith.constant 0 : i32
      %dma_wait3A_36 = arith.constant 0 : i32
      %dma_wait3A_37 = arith.constant 0 : i32
      %dma_wait3A_38 = tpu.memref_slice %arg6[%dma_wait3A, %dma_wait3A_36, %dma_wait3A_37] : memref<2x128x256xf32, #tpu.memory_space<vmem>> -> memref<1x128x256xf32, #tpu.memory_space<vmem>>
      %dma_wait3A_39 = tpu.memref_squeeze %dma_wait3A_38 : memref<1x128x256xf32, #tpu.memory_space<vmem>> -> memref<128x256xf32, #tpu.memory_space<vmem>>
      %dma_wait3A_40 = arith.constant 0 : i32
      %dma_wait3A_41 = tpu.memref_slice %arg5[%add3A_35, %dma_wait3A_40] : memref<200x128xi32, #tpu.memory_space<vmem>> -> memref<1x128xi32, #tpu.memory_space<vmem>>
      %dma_wait3A_42 = tpu.memref_squeeze %dma_wait3A_41 : memref<1x128xi32, #tpu.memory_space<vmem>> -> memref<128xi32, #tpu.memory_space<vmem>>
      %dma_wait3A_43 = arith.constant 0 : i32
      %dma_wait3A_44 = arith.constant 0 : i32
      %dma_wait3A_45 = tpu.memref_slice %arg3[%dma_wait3A_43, %dma_wait3A_44] : memref<1000000x256xf32, #tpu.memory_space<hbm>> -> memref<1000000x256xf32, #tpu.memory_space<hbm>>
      tpu.wait_indirect_dma semaphore(%arg7 : memref<!tpu.dma_semaphore, #tpu.memory_space<semaphore_mem>>) src(%dma_wait3A_45 : memref<1000000x256xf32, #tpu.memory_space<hbm>>) dst(%dma_wait3A_39 : memref<128x256xf32, #tpu.memory_space<vmem>>)
      %mul3A_46 = arith.constant 128 : i32
      %mul3A_47 = arith.muli %add3A_35, %mul3A_46 : i32
      %add3A_48 = arith.addi %mul3A_2, %mul3A_47 : i32
      %run_scoped3A = arith.constant 0 : i32
      "tpu.region"() ({
        %run_scoped3A_77 = tpu.sem_alloc : memref<!tpu.dma_semaphore, #tpu.memory_space<semaphore_mem>>
        %dma_start3A_78 = arith.constant 0 : i32
        %dma_start3A_79 = arith.constant 0 : i32
        %dma_start3A_80 = tpu.memref_slice %arg6[%run_scoped3A, %dma_start3A_78, %dma_start3A_79] : memref<2x128x256xf32, #tpu.memory_space<vmem>> -> memref<1x128x256xf32, #tpu.memory_space<vmem>>
        %dma_start3A_81 = tpu.memref_squeeze %dma_start3A_80 : memref<1x128x256xf32, #tpu.memory_space<vmem>> -> memref<128x256xf32, #tpu.memory_space<vmem>>
        %dma_start3A_82 = arith.constant 0 : i32
        %dma_start3A_83 = tpu.memref_slice %arg4[%add3A_48, %dma_start3A_82] : memref<819200x256xf32, #tpu.memory_space<hbm>> -> memref<128x256xf32, #tpu.memory_space<hbm>>
        %dma_start3A_84 = arith.constant 0 : i32
        %dma_start3A_85 = tpu.memref_slice %arg4[%add3A_48, %dma_start3A_84] : memref<819200x256xf32, #tpu.memory_space<hbm>> -> memref<128x256xf32, #tpu.memory_space<hbm>>
        %dma_start3A_86 = arith.constant 0 : i32
        %dma_start3A_87 = arith.constant 0 : i32
        %dma_start3A_88 = tpu.memref_slice %arg6[%run_scoped3A, %dma_start3A_86, %dma_start3A_87] : memref<2x128x256xf32, #tpu.memory_space<vmem>> -> memref<1x128x256xf32, #tpu.memory_space<vmem>>
        %dma_start3A_89 = tpu.memref_squeeze %dma_start3A_88 : memref<1x128x256xf32, #tpu.memory_space<vmem>> -> memref<128x256xf32, #tpu.memory_space<vmem>>
        tpu.enqueue_dma source(%dma_start3A_89 : memref<128x256xf32, #tpu.memory_space<vmem>>) target(%dma_start3A_85 : memref<128x256xf32, #tpu.memory_space<hbm>>) target_semaphore(%run_scoped3A_77 : memref<!tpu.dma_semaphore, #tpu.memory_space<semaphore_mem>>)
        %dma_wait3A_90 = arith.constant 0 : i32
        %dma_wait3A_91 = arith.constant 0 : i32
        %dma_wait3A_92 = tpu.memref_slice %arg6[%run_scoped3A, %dma_wait3A_90, %dma_wait3A_91] : memref<2x128x256xf32, #tpu.memory_space<vmem>> -> memref<1x128x256xf32, #tpu.memory_space<vmem>>
        %dma_wait3A_93 = tpu.memref_squeeze %dma_wait3A_92 : memref<1x128x256xf32, #tpu.memory_space<vmem>> -> memref<128x256xf32, #tpu.memory_space<vmem>>
        %dma_wait3A_94 = arith.constant 0 : i32
        %dma_wait3A_95 = tpu.memref_slice %arg4[%add3A_48, %dma_wait3A_94] : memref<819200x256xf32, #tpu.memory_space<hbm>> -> memref<128x256xf32, #tpu.memory_space<hbm>>
        %dma_wait3A_96 = arith.constant 0 : i32
        %dma_wait3A_97 = tpu.memref_slice %arg4[%add3A_48, %dma_wait3A_96] : memref<819200x256xf32, #tpu.memory_space<hbm>> -> memref<128x256xf32, #tpu.memory_space<hbm>>
        %dma_wait3A_98 = arith.constant 0 : i32
        %dma_wait3A_99 = arith.constant 0 : i32
        %dma_wait3A_100 = tpu.memref_slice %arg6[%run_scoped3A, %dma_wait3A_98, %dma_wait3A_99] : memref<2x128x256xf32, #tpu.memory_space<vmem>> -> memref<1x128x256xf32, #tpu.memory_space<vmem>>
        %dma_wait3A_101 = tpu.memref_squeeze %dma_wait3A_100 : memref<1x128x256xf32, #tpu.memory_space<vmem>> -> memref<128x256xf32, #tpu.memory_space<vmem>>
        tpu.wait_dma2 semaphore(%run_scoped3A_77 : memref<!tpu.dma_semaphore, #tpu.memory_space<semaphore_mem>>) src(%dma_wait3A_101 : memref<128x256xf32, #tpu.memory_space<vmem>>) dst(%dma_wait3A_97 : memref<128x256xf32, #tpu.memory_space<hbm>>)
        tpu.yield
      }) : () -> ()
      %add3A_49 = arith.constant 2 : i32
      %add3A_50 = arith.addi %add3A_35, %add3A_49 : i32
      %lt3A = arith.constant 200 : i32
      %lt3A_51 = arith.cmpi slt, %add3A_50, %lt3A : i32
      %convert_element_type3A = arith.extui %lt3A_51 : i1 to i32
      %cond3A = arith.constant 0 : i32
      %cond3A_52 = arith.cmpi ne, %convert_element_type3A, %cond3A : i32
      scf.if %cond3A_52 {
        %dma_start3A_77 = arith.constant 0 : i32
        %dma_start3A_78 = arith.constant 0 : i32
        %dma_start3A_79 = arith.constant 0 : i32
        %dma_start3A_80 = tpu.memref_slice %arg6[%dma_start3A_77, %dma_start3A_78, %dma_start3A_79] : memref<2x128x256xf32, #tpu.memory_space<vmem>> -> memref<1x128x256xf32, #tpu.memory_space<vmem>>
        %dma_start3A_81 = tpu.memref_squeeze %dma_start3A_80 : memref<1x128x256xf32, #tpu.memory_space<vmem>> -> memref<128x256xf32, #tpu.memory_space<vmem>>
        %dma_start3A_82 = arith.constant 0 : i32
        %dma_start3A_83 = tpu.memref_slice %arg5[%add3A_50, %dma_start3A_82] : memref<200x128xi32, #tpu.memory_space<vmem>> -> memref<1x128xi32, #tpu.memory_space<vmem>>
        %dma_start3A_84 = tpu.memref_squeeze %dma_start3A_83 : memref<1x128xi32, #tpu.memory_space<vmem>> -> memref<128xi32, #tpu.memory_space<vmem>>
        %dma_start3A_85 = arith.constant 0 : i32
        %dma_start3A_86 = arith.constant 0 : i32
        %dma_start3A_87 = tpu.memref_slice %arg3[%dma_start3A_85, %dma_start3A_86] : memref<1000000x256xf32, #tpu.memory_space<hbm>> -> memref<1000000x256xf32, #tpu.memory_space<hbm>>
        tpu.enqueue_indirect_dma source(%dma_start3A_87 : memref<1000000x256xf32, #tpu.memory_space<hbm>>) target(%dma_start3A_81 : memref<128x256xf32, #tpu.memory_space<vmem>>) offsets(%dma_start3A_84 : memref<128xi32, #tpu.memory_space<vmem>>) semaphore(%arg7 : memref<!tpu.dma_semaphore, #tpu.memory_space<semaphore_mem>>)
      } else {
      }
      %add3A_53 = arith.constant 1 : i32
      %add3A_54 = arith.addi %mul3A_33, %add3A_53 : i32
      %dma_wait3A_55 = arith.constant 1 : i32
      %dma_wait3A_56 = arith.constant 0 : i32
      %dma_wait3A_57 = arith.constant 0 : i32
      %dma_wait3A_58 = tpu.memref_slice %arg6[%dma_wait3A_55, %dma_wait3A_56, %dma_wait3A_57] : memref<2x128x256xf32, #tpu.memory_space<vmem>> -> memref<1x128x256xf32, #tpu.memory_space<vmem>>
      %dma_wait3A_59 = tpu.memref_squeeze %dma_wait3A_58 : memref<1x128x256xf32, #tpu.memory_space<vmem>> -> memref<128x256xf32, #tpu.memory_space<vmem>>
      %dma_wait3A_60 = arith.constant 0 : i32
      %dma_wait3A_61 = tpu.memref_slice %arg5[%add3A_54, %dma_wait3A_60] : memref<200x128xi32, #tpu.memory_space<vmem>> -> memref<1x128xi32, #tpu.memory_space<vmem>>
      %dma_wait3A_62 = tpu.memref_squeeze %dma_wait3A_61 : memref<1x128xi32, #tpu.memory_space<vmem>> -> memref<128xi32, #tpu.memory_space<vmem>>
      %dma_wait3A_63 = arith.constant 0 : i32
      %dma_wait3A_64 = arith.constant 0 : i32
      %dma_wait3A_65 = tpu.memref_slice %arg3[%dma_wait3A_63, %dma_wait3A_64] : memref<1000000x256xf32, #tpu.memory_space<hbm>> -> memref<1000000x256xf32, #tpu.memory_space<hbm>>
      tpu.wait_indirect_dma semaphore(%arg8 : memref<!tpu.dma_semaphore, #tpu.memory_space<semaphore_mem>>) src(%dma_wait3A_65 : memref<1000000x256xf32, #tpu.memory_space<hbm>>) dst(%dma_wait3A_59 : memref<128x256xf32, #tpu.memory_space<vmem>>)
      %mul3A_66 = arith.constant 128 : i32
      %mul3A_67 = arith.muli %add3A_54, %mul3A_66 : i32
      %add3A_68 = arith.addi %mul3A_2, %mul3A_67 : i32
      %run_scoped3A_69 = arith.constant 1 : i32
      "tpu.region"() ({
        %run_scoped3A_77 = tpu.sem_alloc : memref<!tpu.dma_semaphore, #tpu.memory_space<semaphore_mem>>
        %dma_start3A_78 = arith.constant 0 : i32
        %dma_start3A_79 = arith.constant 0 : i32
        %dma_start3A_80 = tpu.memref_slice %arg6[%run_scoped3A_69, %dma_start3A_78, %dma_start3A_79] : memref<2x128x256xf32, #tpu.memory_space<vmem>> -> memref<1x128x256xf32, #tpu.memory_space<vmem>>
        %dma_start3A_81 = tpu.memref_squeeze %dma_start3A_80 : memref<1x128x256xf32, #tpu.memory_space<vmem>> -> memref<128x256xf32, #tpu.memory_space<vmem>>
        %dma_start3A_82 = arith.constant 0 : i32
        %dma_start3A_83 = tpu.memref_slice %arg4[%add3A_68, %dma_start3A_82] : memref<819200x256xf32, #tpu.memory_space<hbm>> -> memref<128x256xf32, #tpu.memory_space<hbm>>
        %dma_start3A_84 = arith.constant 0 : i32
        %dma_start3A_85 = tpu.memref_slice %arg4[%add3A_68, %dma_start3A_84] : memref<819200x256xf32, #tpu.memory_space<hbm>> -> memref<128x256xf32, #tpu.memory_space<hbm>>
        %dma_start3A_86 = arith.constant 0 : i32
        %dma_start3A_87 = arith.constant 0 : i32
        %dma_start3A_88 = tpu.memref_slice %arg6[%run_scoped3A_69, %dma_start3A_86, %dma_start3A_87] : memref<2x128x256xf32, #tpu.memory_space<vmem>> -> memref<1x128x256xf32, #tpu.memory_space<vmem>>
        %dma_start3A_89 = tpu.memref_squeeze %dma_start3A_88 : memref<1x128x256xf32, #tpu.memory_space<vmem>> -> memref<128x256xf32, #tpu.memory_space<vmem>>
        tpu.enqueue_dma source(%dma_start3A_89 : memref<128x256xf32, #tpu.memory_space<vmem>>) target(%dma_start3A_85 : memref<128x256xf32, #tpu.memory_space<hbm>>) target_semaphore(%run_scoped3A_77 : memref<!tpu.dma_semaphore, #tpu.memory_space<semaphore_mem>>)
        %dma_wait3A_90 = arith.constant 0 : i32
        %dma_wait3A_91 = arith.constant 0 : i32
        %dma_wait3A_92 = tpu.memref_slice %arg6[%run_scoped3A_69, %dma_wait3A_90, %dma_wait3A_91] : memref<2x128x256xf32, #tpu.memory_space<vmem>> -> memref<1x128x256xf32, #tpu.memory_space<vmem>>
        %dma_wait3A_93 = tpu.memref_squeeze %dma_wait3A_92 : memref<1x128x256xf32, #tpu.memory_space<vmem>> -> memref<128x256xf32, #tpu.memory_space<vmem>>
        %dma_wait3A_94 = arith.constant 0 : i32
        %dma_wait3A_95 = tpu.memref_slice %arg4[%add3A_68, %dma_wait3A_94] : memref<819200x256xf32, #tpu.memory_space<hbm>> -> memref<128x256xf32, #tpu.memory_space<hbm>>
        %dma_wait3A_96 = arith.constant 0 : i32
        %dma_wait3A_97 = tpu.memref_slice %arg4[%add3A_68, %dma_wait3A_96] : memref<819200x256xf32, #tpu.memory_space<hbm>> -> memref<128x256xf32, #tpu.memory_space<hbm>>
        %dma_wait3A_98 = arith.constant 0 : i32
        %dma_wait3A_99 = arith.constant 0 : i32
        %dma_wait3A_100 = tpu.memref_slice %arg6[%run_scoped3A_69, %dma_wait3A_98, %dma_wait3A_99] : memref<2x128x256xf32, #tpu.memory_space<vmem>> -> memref<1x128x256xf32, #tpu.memory_space<vmem>>
        %dma_wait3A_101 = tpu.memref_squeeze %dma_wait3A_100 : memref<1x128x256xf32, #tpu.memory_space<vmem>> -> memref<128x256xf32, #tpu.memory_space<vmem>>
        tpu.wait_dma2 semaphore(%run_scoped3A_77 : memref<!tpu.dma_semaphore, #tpu.memory_space<semaphore_mem>>) src(%dma_wait3A_101 : memref<128x256xf32, #tpu.memory_space<vmem>>) dst(%dma_wait3A_97 : memref<128x256xf32, #tpu.memory_space<hbm>>)
        tpu.yield
      }) : () -> ()
      %add3A_70 = arith.constant 2 : i32
      %add3A_71 = arith.addi %add3A_54, %add3A_70 : i32
      %lt3A_72 = arith.constant 200 : i32
      %lt3A_73 = arith.cmpi slt, %add3A_71, %lt3A_72 : i32
      %convert_element_type3A_74 = arith.extui %lt3A_73 : i1 to i32
      %cond3A_75 = arith.constant 0 : i32
      %cond3A_76 = arith.cmpi ne, %convert_element_type3A_74, %cond3A_75 : i32
      scf.if %cond3A_76 {
        %dma_start3A_77 = arith.constant 1 : i32
        %dma_start3A_78 = arith.constant 0 : i32
        %dma_start3A_79 = arith.constant 0 : i32
        %dma_start3A_80 = tpu.memref_slice %arg6[%dma_start3A_77, %dma_start3A_78, %dma_start3A_79] : memref<2x128x256xf32, #tpu.memory_space<vmem>> -> memref<1x128x256xf32, #tpu.memory_space<vmem>>
        %dma_start3A_81 = tpu.memref_squeeze %dma_start3A_80 : memref<1x128x256xf32, #tpu.memory_space<vmem>> -> memref<128x256xf32, #tpu.memory_space<vmem>>
        %dma_start3A_82 = arith.constant 0 : i32
        %dma_start3A_83 = tpu.memref_slice %arg5[%add3A_71, %dma_start3A_82] : memref<200x128xi32, #tpu.memory_space<vmem>> -> memref<1x128xi32, #tpu.memory_space<vmem>>
        %dma_start3A_84 = tpu.memref_squeeze %dma_start3A_83 : memref<1x128xi32, #tpu.memory_space<vmem>> -> memref<128xi32, #tpu.memory_space<vmem>>
        %dma_start3A_85 = arith.constant 0 : i32
        %dma_start3A_86 = arith.constant 0 : i32
        %dma_start3A_87 = tpu.memref_slice %arg3[%dma_start3A_85, %dma_start3A_86] : memref<1000000x256xf32, #tpu.memory_space<hbm>> -> memref<1000000x256xf32, #tpu.memory_space<hbm>>
        tpu.enqueue_indirect_dma source(%dma_start3A_87 : memref<1000000x256xf32, #tpu.memory_space<hbm>>) target(%dma_start3A_81 : memref<128x256xf32, #tpu.memory_space<vmem>>) offsets(%dma_start3A_84 : memref<128xi32, #tpu.memory_space<vmem>>) semaphore(%arg8 : memref<!tpu.dma_semaphore, #tpu.memory_space<semaphore_mem>>)
      } else {
      }
    }
    %scan3A_30 = arith.constant 100 : i32
    return
  }
}

</mosaic_0001>

<sc_bundles>
// kernel: kernel.3.cloned.1.call-start
scs
__scs_entry_jumppad:
0x0: {  	(pc) =	sbr.rel $0x88, $3  }
0x1: {  	(tag) =	ssettag $0x0;
	lr =	simm.s32 $0x1  }
0x2: {  	[smem:$0x3F9F] =	sst lr;
	_ =	strace $0xD0000000  }
0x3: {  	_ = 	snop  }
0x4: {  	_ = 	snop  }
0x5: {  	_ = 	snop  }
0x6: {  	_ = 	snop  }
0x7: {  	_ = 	snop  }
__scs_overlays_trampoline_lowered:
0x8: {  	[smem:$0x3FAE] =	sst s0  }
0x9: {  	[smem:$0x3FAF] =	sst s1  }
0xa: {  	[smem:$0x3FB0] =	sst s2  }
0xb: {  	[smem:$0x3FB1] =	sst s3  }
0xc: {  	[smem:$0x3FB2] =	sst s4  }
0xd: {  	[smem:$0x3FB3] =	sst s5  }
0xe: {  	[smem:$0x3FB4] =	sst s6  }
0xf: {  	[smem:$0x3FB5] =	sst s7  }
0x10: {  	[smem:$0x3FB6] =	sst s8  }
0x11: {  	[smem:$0x3FB7] =	sst s9;
	s0 =	simm.s32 @!p0 $0x0  }
0x12: {  	s1 =	sld [smem:$0x3F9D];
	s0 =	simm.s32 @p0 $0x1  }
0x13: {  	[smem:$0x3FB8] =	sst s0;
	s0 =	simm.s32 @!p1 $0x0  }
0x14: {  	s2 =	sld [smem:$0x3F9C];
	s0 =	simm.s32 @p1 $0x1  }
0x15: {  	[smem:$0x3FB9] =	sst s0;
	s0 =	simm.s32 @!p2 $0x0  }
0x16: {  	s3 =	sld [smem:$0x3FDB];
	s0 =	simm.s32 @p2 $0x1  }
0x17: {  	s4 =	simm.s32 $0x1BF5;
	[smem:$0x3FBB] =	sst s0  }
0x18: {  	s0 =	sld [smem:$0x3F9E];
	_ =	swait.ge [sflag:s4], $0x0  }
0x19: {  	s7 =	sld [smem:$0x3F9F]  }
0x1a: {  	s8 =	sadd.s32 $0xFFFFE003, lr  }
0x1b: {  	s9 =	sadd.s32 $0xFFFFFEF7, lr;
	s5 =	simm.s32 $0xFFFFFFFF;
	p2 =	slt.u32 s8, $0xFFFFF086  }
0x1c: {  	p1 =	slt.u32 s9, $0xF7A;
	s5 =	simm.s32 @!p2 $0x0  }
0x1d: {  	s5 =	simm.s32 @p1 $0x1;
	p0 =	seq.s32 s7, s2  }
0x1e: {  	s7 =	smul.u32 @!p0 $0xF7A, s2;
	p2 =	seq.s32 @!p0 s5, $0x0  }
0x1f: {  	s9 =	smul.u32 $0xF7A, s1;
	s8 =	simm.s32 @!p0 $0x1BF5;
	p2 =	por !p2, p0  }
0x20: {  	[sflag:s8] =	ssyncset.s32 @!p0 $0xFFFFF086;
	s6 =	sadd.s32 @!p0 s3, s7;
	s7 =	simm.s32 @!p0 $0x108  }
0x21: {  	s3 =	sadd.s32 s3, s9;
	s6 =	sadd.s32 @!p0 $0x88, s6;
	s7 =	simm.s32 @p2 $0x1082  }
0x22: {  	[simem:s7], [sflag:s8] =	dma.local @!p0 [hbm:s6], $0xF7A  }
0x23: {  	s9 =	sor.u32 $0xD0000000, s2;
	s6 =	simm.s32 $0x108;
	_ =	swait.ge @!p0 [sflag:s8], $0x0  }
0x24: {  	s3 =	sadd.s32 $0x88, s3;
	s6 =	simm.s32 @!p1 $0x1082;
	[sflag:s4] =	ssyncset.s32 $0xFFFFF086  }
0x25: {  	[simem:s6], [sflag:s4] =	dma.local [hbm:s3], $0xF7A  }
0x26: {  	[smem:$0x3F9F] =	sst s1;
	(tag) =	ssettag s2;
	_ =	strace s9  }
0x27: {  	s1 =	sld [smem:$0x3FAF]  }
0x28: {  	s2 =	sld [smem:$0x3FB0]  }
0x29: {  	s4 =	sld [smem:$0x3FB2]  }
0x2a: {  	p0 =	seq.s32 s5, $0x0;
	s5 =	sld [smem:$0x3FB3]  }
0x2b: {  	s6 =	sld [smem:$0x3FB4]  }
0x2c: {  	s7 =	sld [smem:$0x3FB5]  }
0x2d: {  	s3 =	simm.s32 $0x108;
	s8 =	sld [smem:$0x3FB6]  }
0x2e: {  	s3 =	simm.s32 @!p0 $0x1082;
	s9 =	sld [smem:$0x3FB7]  }
0x2f: {  	lr =	sadd.s32 s0, s3;
	s0 =	sld [smem:$0x3FAE]  }
0x30: {  	s3 =	sld [smem:$0x3FB1]  }
0x31: {  	[smem:$0x3FBA] =	sst s10  }
0x32: {  	s10 =	sld [smem:$0x3FB8];
	_ =	sdelay $0x3  }
0x33: {  	p0 =	seq.s32 s10, $0x1;
	s10 =	sld [smem:$0x3FBA];
	_ =	sdelay $0x3  }
0x34: {  	[smem:$0x3FBA] =	sst s10  }
0x35: {  	s10 =	sld [smem:$0x3FB9];
	_ =	sdelay $0x3  }
0x36: {  	p1 =	seq.s32 s10, $0x1;
	s10 =	sld [smem:$0x3FBA];
	_ =	sdelay $0x3  }
0x37: {  	[smem:$0x3FBA] =	sst s10  }
0x38: {  	s10 =	sld [smem:$0x3FBB]  }
0x39: {  	_ = 	snop;
	(pc) =	sbr.ind lr, $3  }
0x3a: {  	_ = 	snop  }
0x3b: {  	_ = 	snop  }
0x3c: {  	p2 =	seq.s32 s10, $0x1;
	s10 =	sld [smem:$0x3FBA]  }
0x3d: {  	_ =	shalt  }
0x3e: {  	_ =	shalt  }
0x3f: {  	_ =	shalt  }
0x40: {  	_ =	shalt  }
0x41: {  	_ =	shalt  }
0x42: {  	_ =	shalt  }
0x43: {  	_ =	shalt  }
0x44: {  	_ =	shalt  }
0x45: {  	_ =	shalt  }
0x46: {  	_ =	shalt  }
0x47: {  	_ =	shalt  }
0x48: {  	_ =	shalt  }
0x49: {  	_ =	shalt  }
0x4a: {  	_ =	shalt  }
0x4b: {  	_ =	shalt  }
0x4c: {  	_ =	shalt  }
0x4d: {  	_ =	shalt  }
0x4e: {  	_ =	shalt  }
0x4f: {  	_ =	shalt  }
0x50: {  	_ =	shalt  }
0x51: {  	_ =	shalt  }
0x52: {  	_ =	shalt  }
0x53: {  	_ =	shalt  }
0x54: {  	_ =	shalt  }
0x55: {  	_ =	shalt  }
0x56: {  	_ =	shalt  }
0x57: {  	_ =	shalt  }
0x58: {  	_ =	shalt  }
0x59: {  	_ =	shalt  }
0x5a: {  	_ =	shalt  }
0x5b: {  	_ =	shalt  }
0x5c: {  	_ =	shalt  }
0x5d: {  	_ =	shalt  }
0x5e: {  	_ =	shalt  }
0x5f: {  	_ =	shalt  }
0x60: {  	_ =	shalt  }
0x61: {  	_ =	shalt  }
0x62: {  	_ =	shalt  }
0x63: {  	_ =	shalt  }
0x64: {  	_ =	shalt  }
0x65: {  	_ =	shalt  }
0x66: {  	_ =	shalt  }
0x67: {  	_ =	shalt  }
0x68: {  	_ =	shalt  }
0x69: {  	_ =	shalt  }
0x6a: {  	_ =	shalt  }
0x6b: {  	_ =	shalt  }
0x6c: {  	_ =	shalt  }
0x6d: {  	_ =	shalt  }
0x6e: {  	_ =	shalt  }
0x6f: {  	_ =	shalt  }
0x70: {  	_ =	shalt  }
0x71: {  	_ =	shalt  }
0x72: {  	_ =	shalt  }
0x73: {  	_ =	shalt  }
0x74: {  	_ =	shalt  }
0x75: {  	_ =	shalt  }
0x76: {  	_ =	shalt  }
0x77: {  	_ =	shalt  }
0x78: {  	_ =	shalt  }
0x79: {  	_ =	shalt  }
0x7a: {  	_ =	shalt  }
0x7b: {  	_ =	shalt  }
0x7c: {  	_ =	shalt  }
0x7d: {  	_ =	shalt  }
0x7e: {  	_ =	shalt  }
0x7f: {  	_ =	shalt  }
0x80: {  	_ =	shalt  }
0x81: {  	_ =	shalt  }
0x82: {  	_ =	shalt  }
0x83: {  	_ =	shalt  }
0x84: {  	_ =	shalt  }
0x85: {  	_ =	shalt  }
0x86: {  	_ =	shalt  }
0x87: {  	_ =	shalt  }
.Lfunc_end0:
.L_simem_size_0:
called_computation_lowered:
.L_overlay_start_0:
0x88: {  	s2 =	sld [smem:$0x3FD9]  }
0x89: {  	s3 =	sld [smem:$0x3FFE];
	_ =	sdelay $0x1  }
0x8a: {  	s1 =	srdreg.scid  }
0x8b: {  	s0 =	sand.u32 $0x1, s1  }
0x8c: {  	s17 =	sshll.u32 s0, $0xA;
	s2 =	sadd.s32 s3, s2  }
0x8d: {  	s2 =	sadd.s32 s2, s17  }
0x8e: {  	[smem:$0x3FC6] =	sst s2  }
0x8f: {  	_ = 	snop  }
0x90: {  	s2 =	sld [smem:$0x3FC8]  }
0x91: {  	s18 =	sld [smem:$0x3FD0];
	(tm) =	ssettm $0x1  }
0x92: {  	s4 =	sld [smem:$0x3FFB];
	_ =	sdelay $0x3  }
0x93: {  	_ =	strace s4  }
0x94: {  	s4 =	sld [smem:$0x3FFC];
	_ =	sdelay $0x3  }
0x95: {  	_ =	strace s4  }
0x96: {  	s4 =	sld [smem:$0x3FFD];
	_ =	sdelay $0x3  }
0x97: {  	_ =	strace s4  }
0x98: {  	_ =	strace $0x8FFFFFFF  }
0x99: {  	s19 =	sld [smem:$0x3FDB];
	_ =	sdelay $0x1  }
0x9a: {  	s5 =	simm.s32 $_scs_section_size  }
0x9b: {  	s6 =	simm.s32 $_size__tile_overlayer_lowered;
	s7 =	simm.s32 $_tile_overlayer_lowered  }
0x9c: {  	s22 =	simm.s32 $0x1BFF;
	s21 =	sshll.u32 s7, $0x1;
	s4 =	sadd.s32 s5, s19  }
0x9d: {  	s8 =	simm.s32 $0x0;
	s20 =	sshll.u32 s6, $0x1;
	s6 =	sadd.s32 s21, s4  }
0x9e: {  	[timem:s8], [sflag:s22] =	dma.local [hbm:s6], s20  }
0x9f: {  	_ =	swait.ge [sflag:s22], s20  }
0xa0: {  	s5 =	ssub.s32 $0x0, s20;
	[sflag:s22] =	ssyncset.done $0x0  }
0xa1: {  	[sflag:s22] =	ssyncadd.s32 s5;
	_ =	sdelay $0x1  }
0xa2: {  	s23 =	simm.s32 $0x1B8B  }
0xa3: {  	_ =	swait.ge [sflag:s23], $0x1  }
0xa4: {  	[sflag:s23] =	ssyncset.done $0x0  }
0xa5: {  	s25 =	simm.s32 $0x1B8E;
	s24 =	sld [smem:$0x3FFE];
	[sflag:s23] =	ssyncadd.s32 $0xFFFFFFFF  }
0xa6: {  	s26 =	simm.s32 $execute0_lowered;
	[smem:$0x3FD2] =	sst s25  }
0xa7: {  	s6 =	sshll.u32 s26, $0x1;
	_ =	strace $0x80000046;
	[dreg:$0x1] =	wrdreg $0xFFFFFFFF  }
0xa8: {  	s28 =	simm.s32 $_size_execute0_lowered;
	s4 =	sadd.s32 s4, s6;
	[dreg:$0x0] =	wrdreg $0x0  }
0xa9: {  	s6 =	sshll.u32 s28, $0x1;
	[dreg:$0x2] =	wrdreg s4  }
0xaa: {  	[dreg:$0x3] =	wrdreg s6  }
0xab: {  	[dreg:$0x4] =	wrdreg $0xC0  }
0xac: {  	_ =	task [dreg:s8], $0x5FFFF  }
0xad: {  	[dreg:$0x1] =	wrdreg $0xFFFFFFFF  }
0xae: {  	[dreg:$0x0] =	wrdreg $0x60  }
0xaf: {  	[dreg:$0x2] =	wrdreg s24  }
0xb0: {  	[dreg:$0x3] =	wrdreg s2  }
0xb1: {  	[dreg:$0x4] =	wrdreg s18  }
0xb2: {  	[dreg:$0x5] =	wrdreg $0x9  }
0xb3: {  	_ =	task.clear_ibuf [dreg:s8], $0x6FFFF;
	_ =	strace $0x90000046  }
0xb4: {  	s29 =	simm.s32 $0x9;
	_ =	strace $0x80000048  }
0xb5: {  	_ =	swait.ge [sflag:s29], $0x1  }
0xb6: {  	[sflag:s29] =	ssyncadd.s32 $0xFFFFFFFF  }
0xb7: {  	_ =	strace $0x90000048  }
0xb8: {  	_ =	sfence  }
0xb9: {  	s30 =	sld [smem:$0x0];
	_ =	sdelay $0x2  }
0xba: {  	s31 =	sshll.u32 s1, $0xD;
	s1 =	sshrl.u32 s1, $0x2  }
0xbb: {  	s3 =	sand.u32 $0x4000, s31;
	s1 =	sadd.s32 s1, s30  }
0xbc: {  	s0 =	sor.u32 s3, s0;
	s1 =	sshll.u32 s1, $0x11  }
0xbd: {  	s0 =	sor.u32 s1, s0  }
0xbe: {  	s0 =	sadd.s32 $0x8F2B, s0  }
0xbf: {  	[sflag:s0] =	ssyncadd.remote.s32 $0x1  }
0xc0: {  	_ =	sfence.sel $0xFFFF  }
0xc1: {  	[dreg:$0x0] =	wrdreg $0xFFFFFFFF;
	(pc) =	sbr.abs _section_cstart, $3  }
0xc2: {  	[dreg:$0x1] =	wrdreg $0xFFFFFFFF  }
0xc3: {  	_ =	task.clear_ibuf [dreg:s8], $0x2FFFF;
	_ =	strace $0x9FFFFFFF  }
0xc4: {  	(tm) =	ssettm $0x7FFFFFFF  }
0xc5: {  	_ =	shalt  }
tec
execute0_lowered:
.L_overlay_start_1:
0x0: {  	(tag) =	ssettag $0x1  }
0x1: {  	s1 =	rddreg [dreg:$0x0]  }
0x2: {  	s0 =	srdreg.scid;
	s2 =	rddreg [dreg:$0x1]  }
0x3: {  	s7 =	stileid.u32;
	s4 =	rddreg [dreg:$0x2]  }
0x4: {  	s21 =	simm.s32 $0xC400;
	s22 =	simm.s32 $0xCC00;
	s23 =	simm.s32 $0xD400  }
0x5: {  	s24 =	simm.s32 $0xDC00;
	s28 =	simm.s32 $0xF400;
	s29 =	simm.s32 $0xFC00  }
0x6: {  	s30 =	simm.s32 $0x10400;
	s31 =	simm.s32 $0x10C00;
	s10 =	simm.s32 $0x13400  }
0x7: {  	s11 =	simm.s32 $0x13C00;
	s12 =	simm.s32 $0x14400;
	s13 =	simm.s32 $0x14C00  }
0x8: {  	s14 =	simm.s32 $0x15400;
	s15 =	simm.s32 $0x15C00;
	s6 =	smul.u32 $0x190000, s7  }
0x9: {  	s0 =	sand.u32 $0x1, s0;
	s3 =	sshll.u32 s7, $0x1;
	s7 =	smul.u32 $0xC80000, s7  }
0xa: {  	s16 =	simm.s32 $0x1;
	s17 =	simm.s32 $0x2;
	s9 =	smul.u32 $0x640000, s0  }
0xb: {  	s3 =	sor.u32 s0, s3;
	s8 =	ssub.s32 $0x2, s0;
	s0 =	smul.u32 $0xC8000, s0  }
0xc: {  	s19 =	simm.s32 $0x0;
	s5 =	smul.u32 $0xC80, s3;
	s3 =	simm.s32 $0x0  }
0xd: {  	s25 =	sshrl.u32 s8, $0x1;
	s6 =	sadd.s32 s6, s4;
	[smem:$0x7FF] =	sst s3  }
0xe: {  	s7 =	sadd.s32 s9, s7;
	s0 =	sadd.s32 s0, s6;
	s9 =	simm.s32 $0x6400  }
0xf: {  	_ =	strace $0x80000047;
	s1 =	sadd.s32 s5, s1;
	s5 =	ssub.s32 s8, s25  }
.Ltmp0:
0x10: {  	s26 =	sshrl.u32 s7, $0x3;
	s6 =	sadd.s32 $0x1000, s0;
	(pc) =	sbr.rel .LBB2_1-.Ltmp0, $4  }
0x11: {  	s8 =	simm.s32 $0x3;
	s25 =	simm.s32 $0xE400;
	s0 =	simm.s32 $0x11C00  }
0x12: {  	v2 =	vlaneseq.u32;
	s1 =	sadd.s32 $0x400, s1;
	s5 =	smax.u32 s5, $0x1;
	s7 =	sadd.s32 s26, s4  }
0x13: {  	vm0 =	vmmov $0xffff;
	v1 =	vshrl.u32 v2, $0x3;
	s26 =	simm.s32 $0xEC00;
	s4 =	simm.s32 $0x12400;
	[dreg:$0x4] =	wrdreg s1  }
0x14: {  	v0 =	vand.u32 $0x7, v2;
	v2 =	vor.u32 $0x8, v2;
	v1 =	vmul.u32 $0x8, v1;
	[dreg:$0x5] =	wrdreg s5;
	s1 =	simm.s32 $0x11400;
	s5 =	simm.s32 $0x12C00  }
.LBB2_6:
0x15: {  	s19 =	rddreg [dreg:$0x6]  }
0x16: {  	s18 =	rddreg [dreg:$0x5];
	s19 =	sadd.s32 $0x1, s19  }
0x17: {  	p0 =	sne.s32 s19, s18  }
.Ltmp1:
0x18: {  	_ = 	snop;
	(pc) =	sbr.rel @!p0 .LBB2_7-.Ltmp1, $1  }
0x19: {  	_ =	sdelay $0x3  }
.LBB2_1:
0x1a: {  	[dreg:$0x6] =	wrdreg s19  }
0x1b: {  	s18 =	rddreg [dreg:$0x4]  }
0x1c: {  	[tilespmem:s3], [sflag:$0x3] =	stream.linear.gather [hbm4b:s18+s3], $0x6400, $0x38;
	[tilespmem:$0x16400] =	vst v63  }
0x1d: {  	_ =	swait.ge [sflag:s8], $0x6400  }
0x1e: {  	[sflag:s8] =	ssyncset.done $0x0  }
0x1f: {  	[sflag:s8] =	ssyncadd.s32 $0xFFFF9C00  }
0x20: {  	v3 =	vld [tilespmem:$0x0];
	_ =	sdelay $0x4  }
0x21: {  	v4 =	vshll.u32 v3, $0x1  }
0x22: {  	v3 =	vand.u32 $0x7, v3;
	v4 =	vand.u32 $0xFFFFFFF0, v4  }
0x23: {  	v3 =	vor.u32 v3, v4  }
0x24: {  	v4 =	vperm.xlane v3, v0;
	_ =	sdelay $0x1  }
0x25: {  	v3 =	vperm.xlane v3, v2;
	v4 =	vadd.s32 v1, v4;
	_ =	sdelay $0x1  }
0x26: {  	v3 =	vadd.s32 v1, v3;
	_ =	sdelay $0x2  }
0x27: {  	[tilespmem:s9], [sflag:$0x1] =	stream.indirect_vreg.gather [hbm4b:s2+s3], $0x80, v4, vm0, $0xb8;
	[tilespmem:$0x16400] =	vst v63  }
0x28: {  	s20 =	simm.s32 $0x6C00  }
0x29: {  	[tilespmem:s20], [sflag:$0x1] =	stream.indirect_vreg.gather [hbm4b:s2+s3], $0x80, v3, vm0, $0xb8;
	[tilespmem:$0x16400] =	vst v63  }
0x2a: {  	v3 =	vld [tilespmem:$0x10];
	_ =	sdelay $0x4  }
0x2b: {  	v49 =	vshll.u32 v3, $0x1  }
0x2c: {  	v3 =	vand.u32 $0x7, v3;
	v4 =	vand.u32 $0xFFFFFFF0, v49  }
0x2d: {  	v3 =	vor.u32 v3, v4  }
0x2e: {  	v4 =	vperm.xlane v3, v0;
	_ =	sdelay $0x1  }
0x2f: {  	v3 =	vperm.xlane v3, v2;
	v4 =	vadd.s32 v1, v4;
	_ =	sdelay $0x1  }
0x30: {  	v3 =	vadd.s32 v1, v3;
	_ =	sdelay $0x1  }
0x31: {  	s19 =	simm.s32 $0x7400  }
0x32: {  	[tilespmem:s19], [sflag:$0x1] =	stream.indirect_vreg.gather [hbm4b:s2+s3], $0x80, v4, vm0, $0xb8;
	[tilespmem:$0x16400] =	vst v63  }
0x33: {  	s20 =	simm.s32 $0x7C00  }
0x34: {  	[tilespmem:s20], [sflag:$0x1] =	stream.indirect_vreg.gather [hbm4b:s2+s3], $0x80, v3, vm0, $0xb8;
	[tilespmem:$0x16400] =	vst v63  }
0x35: {  	v3 =	vld [tilespmem:$0x20];
	_ =	sdelay $0x4  }
0x36: {  	v50 =	vshll.u32 v3, $0x1  }
0x37: {  	v3 =	vand.u32 $0x7, v3;
	v4 =	vand.u32 $0xFFFFFFF0, v50  }
0x38: {  	v3 =	vor.u32 v3, v4  }
0x39: {  	v4 =	vperm.xlane v3, v0;
	_ =	sdelay $0x1  }
0x3a: {  	v3 =	vperm.xlane v3, v2;
	v4 =	vadd.s32 v1, v4;
	_ =	sdelay $0x1  }
0x3b: {  	v3 =	vadd.s32 v1, v3;
	_ =	sdelay $0x1  }
0x3c: {  	s19 =	simm.s32 $0x8400  }
0x3d: {  	[tilespmem:s19], [sflag:$0x1] =	stream.indirect_vreg.gather [hbm4b:s2+s3], $0x80, v4, vm0, $0xb8;
	[tilespmem:$0x16400] =	vst v63  }
0x3e: {  	s20 =	simm.s32 $0x8C00  }
0x3f: {  	[tilespmem:s20], [sflag:$0x1] =	stream.indirect_vreg.gather [hbm4b:s2+s3], $0x80, v3, vm0, $0xb8;
	[tilespmem:$0x16400] =	vst v63  }
0x40: {  	v3 =	vld [tilespmem:$0x30];
	_ =	sdelay $0x4  }
0x41: {  	v51 =	vshll.u32 v3, $0x1  }
0x42: {  	v3 =	vand.u32 $0x7, v3;
	v4 =	vand.u32 $0xFFFFFFF0, v51  }
0x43: {  	v3 =	vor.u32 v3, v4  }
0x44: {  	v4 =	vperm.xlane v3, v0;
	_ =	sdelay $0x1  }
0x45: {  	v3 =	vperm.xlane v3, v2;
	v4 =	vadd.s32 v1, v4;
	_ =	sdelay $0x1  }
0x46: {  	v3 =	vadd.s32 v1, v3;
	_ =	sdelay $0x1  }
0x47: {  	s19 =	simm.s32 $0x9400  }
0x48: {  	[tilespmem:s19], [sflag:$0x1] =	stream.indirect_vreg.gather [hbm4b:s2+s3], $0x80, v4, vm0, $0xb8;
	[tilespmem:$0x16400] =	vst v63  }
0x49: {  	s20 =	simm.s32 $0x9C00  }
0x4a: {  	[tilespmem:s20], [sflag:$0x1] =	stream.indirect_vreg.gather [hbm4b:s2+s3], $0x80, v3, vm0, $0xb8;
	[tilespmem:$0x16400] =	vst v63  }
0x4b: {  	v3 =	vld [tilespmem:$0x40];
	_ =	sdelay $0x4  }
0x4c: {  	v52 =	vshll.u32 v3, $0x1  }
0x4d: {  	v3 =	vand.u32 $0x7, v3;
	v4 =	vand.u32 $0xFFFFFFF0, v52  }
0x4e: {  	v3 =	vor.u32 v3, v4  }
0x4f: {  	v4 =	vperm.xlane v3, v0;
	_ =	sdelay $0x1  }
0x50: {  	v3 =	vperm.xlane v3, v2;
	v4 =	vadd.s32 v1, v4;
	_ =	sdelay $0x1  }
0x51: {  	v3 =	vadd.s32 v1, v3;
	_ =	sdelay $0x1  }
0x52: {  	s19 =	simm.s32 $0xA400  }
0x53: {  	[tilespmem:s19], [sflag:$0x1] =	stream.indirect_vreg.gather [hbm4b:s2+s3], $0x80, v4, vm0, $0xb8;
	[tilespmem:$0x16400] =	vst v63  }
0x54: {  	s20 =	simm.s32 $0xAC00  }
0x55: {  	[tilespmem:s20], [sflag:$0x1] =	stream.indirect_vreg.gather [hbm4b:s2+s3], $0x80, v3, vm0, $0xb8;
	[tilespmem:$0x16400] =	vst v63  }
0x56: {  	v3 =	vld [tilespmem:$0x50];
	_ =	sdelay $0x4  }
0x57: {  	v53 =	vshll.u32 v3, $0x1  }
0x58: {  	v3 =	vand.u32 $0x7, v3;
	v4 =	vand.u32 $0xFFFFFFF0, v53  }
0x59: {  	v3 =	vor.u32 v3, v4  }
0x5a: {  	v4 =	vperm.xlane v3, v0;
	_ =	sdelay $0x1  }
0x5b: {  	v3 =	vperm.xlane v3, v2;
	v4 =	vadd.s32 v1, v4;
	_ =	sdelay $0x1  }
0x5c: {  	v3 =	vadd.s32 v1, v3;
	_ =	sdelay $0x1  }
0x5d: {  	s19 =	simm.s32 $0xB400  }
0x5e: {  	[tilespmem:s19], [sflag:$0x1] =	stream.indirect_vreg.gather [hbm4b:s2+s3], $0x80, v4, vm0, $0xb8;
	[tilespmem:$0x16400] =	vst v63  }
0x5f: {  	s20 =	simm.s32 $0xBC00  }
0x60: {  	[tilespmem:s20], [sflag:$0x1] =	stream.indirect_vreg.gather [hbm4b:s2+s3], $0x80, v3, vm0, $0xb8;
	[tilespmem:$0x16400] =	vst v63  }
0x61: {  	v3 =	vld [tilespmem:$0x60];
	_ =	sdelay $0x4  }
0x62: {  	v54 =	vshll.u32 v3, $0x1  }
0x63: {  	v3 =	vand.u32 $0x7, v3;
	v4 =	vand.u32 $0xFFFFFFF0, v54  }
0x64: {  	v3 =	vor.u32 v3, v4  }
0x65: {  	v4 =	vperm.xlane v3, v0;
	_ =	sdelay $0x1  }
0x66: {  	v3 =	vperm.xlane v3, v2;
	v4 =	vadd.s32 v1, v4;
	_ =	sdelay $0x1  }
0x67: {  	v3 =	vadd.s32 v1, v3;
	_ =	sdelay $0x2  }
0x68: {  	[tilespmem:s21], [sflag:$0x1] =	stream.indirect_vreg.gather [hbm4b:s2+s3], $0x80, v4, vm0, $0xb8;
	[tilespmem:$0x16400] =	vst v63  }
0x69: {  	_ = 	snop  }
0x6a: {  	[tilespmem:s22], [sflag:$0x1] =	stream.indirect_vreg.gather [hbm4b:s2+s3], $0x80, v3, vm0, $0xb8;
	[tilespmem:$0x16400] =	vst v63  }
0x6b: {  	v3 =	vld [tilespmem:$0x70];
	_ =	sdelay $0x4  }
0x6c: {  	v55 =	vshll.u32 v3, $0x1  }
0x6d: {  	v3 =	vand.u32 $0x7, v3;
	v4 =	vand.u32 $0xFFFFFFF0, v55  }
0x6e: {  	v3 =	vor.u32 v3, v4  }
0x6f: {  	v4 =	vperm.xlane v3, v0;
	_ =	sdelay $0x1  }
0x70: {  	v3 =	vperm.xlane v3, v2;
	v4 =	vadd.s32 v1, v4;
	_ =	sdelay $0x1  }
0x71: {  	v3 =	vadd.s32 v1, v3;
	_ =	sdelay $0x2  }
0x72: {  	[tilespmem:s23], [sflag:$0x1] =	stream.indirect_vreg.gather [hbm4b:s2+s3], $0x80, v4, vm0, $0xb8;
	[tilespmem:$0x16400] =	vst v63  }
0x73: {  	_ = 	snop  }
0x74: {  	[tilespmem:s24], [sflag:$0x1] =	stream.indirect_vreg.gather [hbm4b:s2+s3], $0x80, v3, vm0, $0xb8;
	[tilespmem:$0x16400] =	vst v63  }
0x75: {  	v3 =	vld [tilespmem:$0x80];
	_ =	sdelay $0x4  }
0x76: {  	v56 =	vshll.u32 v3, $0x1  }
0x77: {  	v3 =	vand.u32 $0x7, v3;
	v4 =	vand.u32 $0xFFFFFFF0, v56  }
0x78: {  	v3 =	vor.u32 v3, v4  }
0x79: {  	v4 =	vperm.xlane v3, v0;
	_ =	sdelay $0x1  }
0x7a: {  	v3 =	vperm.xlane v3, v2;
	v4 =	vadd.s32 v1, v4;
	_ =	sdelay $0x1  }
0x7b: {  	v3 =	vadd.s32 v1, v3;
	_ =	sdelay $0x2  }
0x7c: {  	[tilespmem:s25], [sflag:$0x2] =	stream.indirect_vreg.gather [hbm4b:s2+s3], $0x80, v4, vm0, $0xb8;
	[tilespmem:$0x16400] =	vst v63  }
0x7d: {  	_ = 	snop  }
0x7e: {  	[tilespmem:s26], [sflag:$0x2] =	stream.indirect_vreg.gather [hbm4b:s2+s3], $0x80, v3, vm0, $0xb8;
	[tilespmem:$0x16400] =	vst v63  }
0x7f: {  	v3 =	vld [tilespmem:$0x90];
	_ =	sdelay $0x4  }
0x80: {  	v57 =	vshll.u32 v3, $0x1  }
0x81: {  	v3 =	vand.u32 $0x7, v3;
	v4 =	vand.u32 $0xFFFFFFF0, v57  }
0x82: {  	v3 =	vor.u32 v3, v4  }
0x83: {  	v4 =	vperm.xlane v3, v0;
	_ =	sdelay $0x1  }
0x84: {  	v3 =	vperm.xlane v3, v2;
	v4 =	vadd.s32 v1, v4;
	_ =	sdelay $0x1  }
0x85: {  	v3 =	vadd.s32 v1, v3;
	_ =	sdelay $0x2  }
0x86: {  	[tilespmem:s28], [sflag:$0x2] =	stream.indirect_vreg.gather [hbm4b:s2+s3], $0x80, v4, vm0, $0xb8;
	[tilespmem:$0x16400] =	vst v63  }
0x87: {  	_ = 	snop  }
0x88: {  	[tilespmem:s29], [sflag:$0x2] =	stream.indirect_vreg.gather [hbm4b:s2+s3], $0x80, v3, vm0, $0xb8;
	[tilespmem:$0x16400] =	vst v63  }
0x89: {  	v3 =	vld [tilespmem:$0xA0];
	_ =	sdelay $0x4  }
0x8a: {  	v58 =	vshll.u32 v3, $0x1  }
0x8b: {  	v3 =	vand.u32 $0x7, v3;
	v4 =	vand.u32 $0xFFFFFFF0, v58  }
0x8c: {  	v3 =	vor.u32 v3, v4  }
0x8d: {  	v4 =	vperm.xlane v3, v0;
	_ =	sdelay $0x1  }
0x8e: {  	v3 =	vperm.xlane v3, v2;
	v4 =	vadd.s32 v1, v4;
	_ =	sdelay $0x1  }
0x8f: {  	v3 =	vadd.s32 v1, v3;
	_ =	sdelay $0x2  }
0x90: {  	[tilespmem:s30], [sflag:$0x2] =	stream.indirect_vreg.gather [hbm4b:s2+s3], $0x80, v4, vm0, $0xb8;
	[tilespmem:$0x16400] =	vst v63  }
0x91: {  	_ = 	snop  }
0x92: {  	[tilespmem:s31], [sflag:$0x2] =	stream.indirect_vreg.gather [hbm4b:s2+s3], $0x80, v3, vm0, $0xb8;
	[tilespmem:$0x16400] =	vst v63  }
0x93: {  	v3 =	vld [tilespmem:$0xB0];
	_ =	sdelay $0x4  }
0x94: {  	v59 =	vshll.u32 v3, $0x1  }
0x95: {  	v3 =	vand.u32 $0x7, v3;
	v4 =	vand.u32 $0xFFFFFFF0, v59  }
0x96: {  	v3 =	vor.u32 v3, v4  }
0x97: {  	v4 =	vperm.xlane v3, v0;
	_ =	sdelay $0x1  }
0x98: {  	v3 =	vperm.xlane v3, v2;
	v4 =	vadd.s32 v1, v4;
	_ =	sdelay $0x1  }
0x99: {  	v3 =	vadd.s32 v1, v3;
	_ =	sdelay $0x2  }
0x9a: {  	[tilespmem:s1], [sflag:$0x2] =	stream.indirect_vreg.gather [hbm4b:s2+s3], $0x80, v4, vm0, $0xb8;
	[tilespmem:$0x16400] =	vst v63  }
0x9b: {  	_ = 	snop  }
0x9c: {  	[tilespmem:s0], [sflag:$0x2] =	stream.indirect_vreg.gather [hbm4b:s2+s3], $0x80, v3, vm0, $0xb8;
	[tilespmem:$0x16400] =	vst v63  }
0x9d: {  	v3 =	vld [tilespmem:$0xC0];
	_ =	sdelay $0x4  }
0x9e: {  	v60 =	vshll.u32 v3, $0x1  }
0x9f: {  	v3 =	vand.u32 $0x7, v3;
	v4 =	vand.u32 $0xFFFFFFF0, v60  }
0xa0: {  	v3 =	vor.u32 v3, v4  }
0xa1: {  	v4 =	vperm.xlane v3, v0;
	_ =	sdelay $0x1  }
0xa2: {  	v3 =	vperm.xlane v3, v2;
	v4 =	vadd.s32 v1, v4;
	_ =	sdelay $0x1  }
0xa3: {  	v3 =	vadd.s32 v1, v3;
	_ =	sdelay $0x2  }
0xa4: {  	[tilespmem:s4], [sflag:$0x2] =	stream.indirect_vreg.gather [hbm4b:s2+s3], $0x80, v4, vm0, $0xb8;
	[tilespmem:$0x16400] =	vst v63  }
0xa5: {  	_ = 	snop  }
0xa6: {  	[tilespmem:s5], [sflag:$0x2] =	stream.indirect_vreg.gather [hbm4b:s2+s3], $0x80, v3, vm0, $0xb8;
	[tilespmem:$0x16400] =	vst v63  }
0xa7: {  	v3 =	vld [tilespmem:$0xD0];
	_ =	sdelay $0x4  }
0xa8: {  	v61 =	vshll.u32 v3, $0x1  }
0xa9: {  	v3 =	vand.u32 $0x7, v3;
	v4 =	vand.u32 $0xFFFFFFF0, v61  }
0xaa: {  	v3 =	vor.u32 v3, v4  }
0xab: {  	v4 =	vperm.xlane v3, v0;
	_ =	sdelay $0x1  }
0xac: {  	v3 =	vperm.xlane v3, v2;
	v4 =	vadd.s32 v1, v4;
	_ =	sdelay $0x1  }
0xad: {  	v3 =	vadd.s32 v1, v3;
	_ =	sdelay $0x2  }
0xae: {  	[tilespmem:s10], [sflag:$0x2] =	stream.indirect_vreg.gather [hbm4b:s2+s3], $0x80, v4, vm0, $0xb8;
	[tilespmem:$0x16400] =	vst v63  }
0xaf: {  	_ = 	snop  }
0xb0: {  	[tilespmem:s11], [sflag:$0x2] =	stream.indirect_vreg.gather [hbm4b:s2+s3], $0x80, v3, vm0, $0xb8;
	[tilespmem:$0x16400] =	vst v63  }
0xb1: {  	v3 =	vld [tilespmem:$0xE0];
	_ =	sdelay $0x4  }
0xb2: {  	v62 =	vshll.u32 v3, $0x1  }
0xb3: {  	v3 =	vand.u32 $0x7, v3;
	v4 =	vand.u32 $0xFFFFFFF0, v62  }
0xb4: {  	v3 =	vor.u32 v3, v4  }
0xb5: {  	v4 =	vperm.xlane v3, v0;
	_ =	sdelay $0x1  }
0xb6: {  	v3 =	vperm.xlane v3, v2;
	v4 =	vadd.s32 v1, v4;
	_ =	sdelay $0x1  }
0xb7: {  	v3 =	vadd.s32 v1, v3;
	_ =	sdelay $0x2  }
0xb8: {  	[tilespmem:s12], [sflag:$0x2] =	stream.indirect_vreg.gather [hbm4b:s2+s3], $0x80, v4, vm0, $0xb8;
	[tilespmem:$0x16400] =	vst v63  }
0xb9: {  	_ = 	snop  }
0xba: {  	[tilespmem:s13], [sflag:$0x2] =	stream.indirect_vreg.gather [hbm4b:s2+s3], $0x80, v3, vm0, $0xb8;
	[tilespmem:$0x16400] =	vst v63  }
0xbb: {  	v3 =	vld [tilespmem:$0xF0];
	_ =	sdelay $0x4  }
0xbc: {  	v63 =	vshll.u32 v3, $0x1  }
0xbd: {  	v3 =	vand.u32 $0x7, v3;
	v4 =	vand.u32 $0xFFFFFFF0, v63  }
0xbe: {  	v3 =	vor.u32 v3, v4  }
0xbf: {  	v4 =	vperm.xlane v3, v0;
	_ =	sdelay $0x1  }
0xc0: {  	v3 =	vperm.xlane v3, v2;
	v4 =	vadd.s32 v1, v4;
	_ =	sdelay $0x1  }
0xc1: {  	v3 =	vadd.s32 v1, v3;
	_ =	sdelay $0x2  }
0xc2: {  	[tilespmem:s14], [sflag:$0x2] =	stream.indirect_vreg.gather [hbm4b:s2+s3], $0x80, v4, vm0, $0xb8;
	[tilespmem:$0x16400] =	vst v63  }
0xc3: {  	s18 =	simm.s32 $0x1F0;
	s19 =	simm.s32 $0x0  }
0xc4: {  	[tilespmem:s15], [sflag:$0x2] =	stream.indirect_vreg.gather [hbm4b:s2+s3], $0x80, v3, vm0, $0xb8;
	[tilespmem:$0x16400] =	vst v63  }
.LBB2_2:
0xc5: {  	_ =	swait.ge [sflag:s16], $0x8000  }
0xc6: {  	p0 =	seq.s32 s19, $0xC6000;
	[sflag:s16] =	ssyncset.done $0x0  }
.Ltmp2:
0xc7: {  	s20 =	sadd.s32 s19, s7;
	[sflag:s16] =	ssyncadd.s32 $0xFFFF8000;
	(pc) =	sbr.rel @p0 .LBB2_4-.Ltmp2, $4  }
0xc8: {  	[hbm4b:s20+s3] =	stream.linear.scatter [tilespmem:s9], [sflag:$0x3], $0x8000, $0x38;
	[tilespmem:$0x16400] =	vst v63  }
0xc9: {  	_ =	swait.ge [sflag:s8], $0x8000  }
0xca: {  	[sflag:s8] =	ssyncset.done $0x0  }
0xcb: {  	[sflag:s8] =	ssyncadd.s32 $0xFFFF8000  }
0xcc: {  	v3 =	vld [tilespmem:s18+$0xFFFFFF10];
	_ =	sdelay $0x4  }
0xcd: {  	v4 =	vshll.u32 v3, $0x1  }
0xce: {  	v3 =	vand.u32 $0x7, v3;
	v4 =	vand.u32 $0xFFFFFFF0, v4  }
0xcf: {  	v3 =	vor.u32 v3, v4  }
0xd0: {  	v4 =	vperm.xlane v3, v0;
	_ =	sdelay $0x1  }
0xd1: {  	v3 =	vperm.xlane v3, v2;
	v4 =	vadd.s32 v1, v4;
	_ =	sdelay $0x1  }
0xd2: {  	v3 =	vadd.s32 v1, v3;
	_ =	sdelay $0x2  }
0xd3: {  	[tilespmem:s9], [sflag:$0x1] =	stream.indirect_vreg.gather [hbm4b:s2+s3], $0x80, v4, vm0, $0xb8;
	[tilespmem:$0x16400] =	vst v63  }
0xd4: {  	s20 =	simm.s32 $0x6C00  }
0xd5: {  	[tilespmem:s20], [sflag:$0x1] =	stream.indirect_vreg.gather [hbm4b:s2+s3], $0x80, v3, vm0, $0xb8;
	[tilespmem:$0x16400] =	vst v63  }
0xd6: {  	v3 =	vld [tilespmem:s18+$0xFFFFFF20];
	_ =	sdelay $0x4  }
0xd7: {  	v57 =	vshll.u32 v3, $0x1  }
0xd8: {  	v3 =	vand.u32 $0x7, v3;
	v4 =	vand.u32 $0xFFFFFFF0, v57  }
0xd9: {  	v3 =	vor.u32 v3, v4  }
0xda: {  	v4 =	vperm.xlane v3, v0;
	_ =	sdelay $0x1  }
0xdb: {  	v3 =	vperm.xlane v3, v2;
	v4 =	vadd.s32 v1, v4;
	_ =	sdelay $0x1  }
0xdc: {  	v3 =	vadd.s32 v1, v3;
	_ =	sdelay $0x1  }
0xdd: {  	s20 =	simm.s32 $0x7400  }
0xde: {  	[tilespmem:s20], [sflag:$0x1] =	stream.indirect_vreg.gather [hbm4b:s2+s3], $0x80, v4, vm0, $0xb8;
	[tilespmem:$0x16400] =	vst v63  }
0xdf: {  	s20 =	simm.s32 $0x7C00  }
0xe0: {  	[tilespmem:s20], [sflag:$0x1] =	stream.indirect_vreg.gather [hbm4b:s2+s3], $0x80, v3, vm0, $0xb8;
	[tilespmem:$0x16400] =	vst v63  }
0xe1: {  	v3 =	vld [tilespmem:s18+$0xFFFFFF30];
	_ =	sdelay $0x4  }
0xe2: {  	v58 =	vshll.u32 v3, $0x1  }
0xe3: {  	v3 =	vand.u32 $0x7, v3;
	v4 =	vand.u32 $0xFFFFFFF0, v58  }
0xe4: {  	v3 =	vor.u32 v3, v4  }
0xe5: {  	v4 =	vperm.xlane v3, v0;
	_ =	sdelay $0x1  }
0xe6: {  	v3 =	vperm.xlane v3, v2;
	v4 =	vadd.s32 v1, v4;
	_ =	sdelay $0x1  }
0xe7: {  	v3 =	vadd.s32 v1, v3;
	_ =	sdelay $0x1  }
0xe8: {  	s20 =	simm.s32 $0x8400  }
0xe9: {  	[tilespmem:s20], [sflag:$0x1] =	stream.indirect_vreg.gather [hbm4b:s2+s3], $0x80, v4, vm0, $0xb8;
	[tilespmem:$0x16400] =	vst v63  }
0xea: {  	s20 =	simm.s32 $0x8C00  }
0xeb: {  	[tilespmem:s20], [sflag:$0x1] =	stream.indirect_vreg.gather [hbm4b:s2+s3], $0x80, v3, vm0, $0xb8;
	[tilespmem:$0x16400] =	vst v63  }
0xec: {  	v3 =	vld [tilespmem:s18+$0xFFFFFF40];
	_ =	sdelay $0x4  }
0xed: {  	v59 =	vshll.u32 v3, $0x1  }
0xee: {  	v3 =	vand.u32 $0x7, v3;
	v4 =	vand.u32 $0xFFFFFFF0, v59  }
0xef: {  	v3 =	vor.u32 v3, v4  }
0xf0: {  	v4 =	vperm.xlane v3, v0;
	_ =	sdelay $0x1  }
0xf1: {  	v3 =	vperm.xlane v3, v2;
	v4 =	vadd.s32 v1, v4;
	_ =	sdelay $0x1  }
0xf2: {  	v3 =	vadd.s32 v1, v3;
	_ =	sdelay $0x1  }
0xf3: {  	s20 =	simm.s32 $0x9400  }
0xf4: {  	[tilespmem:s20], [sflag:$0x1] =	stream.indirect_vreg.gather [hbm4b:s2+s3], $0x80, v4, vm0, $0xb8;
	[tilespmem:$0x16400] =	vst v63  }
0xf5: {  	s20 =	simm.s32 $0x9C00  }
0xf6: {  	[tilespmem:s20], [sflag:$0x1] =	stream.indirect_vreg.gather [hbm4b:s2+s3], $0x80, v3, vm0, $0xb8;
	[tilespmem:$0x16400] =	vst v63  }
0xf7: {  	v3 =	vld [tilespmem:s18+$0xFFFFFF50];
	_ =	sdelay $0x4  }
0xf8: {  	v60 =	vshll.u32 v3, $0x1  }
0xf9: {  	v3 =	vand.u32 $0x7, v3;
	v4 =	vand.u32 $0xFFFFFFF0, v60  }
0xfa: {  	v3 =	vor.u32 v3, v4  }
0xfb: {  	v4 =	vperm.xlane v3, v0;
	_ =	sdelay $0x1  }
0xfc: {  	v3 =	vperm.xlane v3, v2;
	v4 =	vadd.s32 v1, v4;
	_ =	sdelay $0x1  }
0xfd: {  	v3 =	vadd.s32 v1, v3;
	_ =	sdelay $0x1  }
0xfe: {  	s20 =	simm.s32 $0xA400  }
0xff: {  	[tilespmem:s20], [sflag:$0x1] =	stream.indirect_vreg.gather [hbm4b:s2+s3], $0x80, v4, vm0, $0xb8;
	[tilespmem:$0x16400] =	vst v63  }
0x100: {  	s20 =	simm.s32 $0xAC00  }
0x101: {  	[tilespmem:s20], [sflag:$0x1] =	stream.indirect_vreg.gather [hbm4b:s2+s3], $0x80, v3, vm0, $0xb8;
	[tilespmem:$0x16400] =	vst v63  }
0x102: {  	v3 =	vld [tilespmem:s18+$0xFFFFFF60];
	_ =	sdelay $0x4  }
0x103: {  	v61 =	vshll.u32 v3, $0x1  }
0x104: {  	v3 =	vand.u32 $0x7, v3;
	v4 =	vand.u32 $0xFFFFFFF0, v61  }
0x105: {  	v3 =	vor.u32 v3, v4  }
0x106: {  	v4 =	vperm.xlane v3, v0;
	_ =	sdelay $0x1  }
0x107: {  	v3 =	vperm.xlane v3, v2;
	v4 =	vadd.s32 v1, v4;
	_ =	sdelay $0x1  }
0x108: {  	v3 =	vadd.s32 v1, v3;
	_ =	sdelay $0x1  }
0x109: {  	s20 =	simm.s32 $0xB400  }
0x10a: {  	[tilespmem:s20], [sflag:$0x1] =	stream.indirect_vreg.gather [hbm4b:s2+s3], $0x80, v4, vm0, $0xb8;
	[tilespmem:$0x16400] =	vst v63  }
0x10b: {  	s20 =	simm.s32 $0xBC00  }
0x10c: {  	[tilespmem:s20], [sflag:$0x1] =	stream.indirect_vreg.gather [hbm4b:s2+s3], $0x80, v3, vm0, $0xb8;
	[tilespmem:$0x16400] =	vst v63  }
0x10d: {  	v3 =	vld [tilespmem:s18+$0xFFFFFF70];
	_ =	sdelay $0x4  }
0x10e: {  	v62 =	vshll.u32 v3, $0x1  }
0x10f: {  	v3 =	vand.u32 $0x7, v3;
	v4 =	vand.u32 $0xFFFFFFF0, v62  }
0x110: {  	v3 =	vor.u32 v3, v4  }
0x111: {  	v4 =	vperm.xlane v3, v0;
	_ =	sdelay $0x1  }
0x112: {  	v3 =	vperm.xlane v3, v2;
	v4 =	vadd.s32 v1, v4;
	_ =	sdelay $0x1  }
0x113: {  	v3 =	vadd.s32 v1, v3;
	_ =	sdelay $0x2  }
0x114: {  	[tilespmem:s21], [sflag:$0x1] =	stream.indirect_vreg.gather [hbm4b:s2+s3], $0x80, v4, vm0, $0xb8;
	[tilespmem:$0x16400] =	vst v63  }
0x115: {  	_ = 	snop  }
0x116: {  	[tilespmem:s22], [sflag:$0x1] =	stream.indirect_vreg.gather [hbm4b:s2+s3], $0x80, v3, vm0, $0xb8;
	[tilespmem:$0x16400] =	vst v63  }
0x117: {  	v3 =	vld [tilespmem:s18+$0xFFFFFF80];
	_ =	sdelay $0x4  }
0x118: {  	v63 =	vshll.u32 v3, $0x1  }
0x119: {  	v3 =	vand.u32 $0x7, v3;
	v4 =	vand.u32 $0xFFFFFFF0, v63  }
0x11a: {  	v3 =	vor.u32 v3, v4  }
0x11b: {  	v4 =	vperm.xlane v3, v0;
	_ =	sdelay $0x1  }
0x11c: {  	v3 =	vperm.xlane v3, v2;
	v4 =	vadd.s32 v1, v4;
	_ =	sdelay $0x1  }
0x11d: {  	v3 =	vadd.s32 v1, v3;
	_ =	sdelay $0x2  }
0x11e: {  	[tilespmem:s23], [sflag:$0x1] =	stream.indirect_vreg.gather [hbm4b:s2+s3], $0x80, v4, vm0, $0xb8;
	[tilespmem:$0x16400] =	vst v63  }
0x11f: {  	_ = 	snop  }
0x120: {  	[tilespmem:s24], [sflag:$0x1] =	stream.indirect_vreg.gather [hbm4b:s2+s3], $0x80, v3, vm0, $0xb8;
	[tilespmem:$0x16400] =	vst v63  }
.LBB2_4:
0x121: {  	_ =	swait.ge [sflag:s17], $0x8000  }
0x122: {  	[sflag:s17] =	ssyncset.done $0x0  }
.Ltmp3:
0x123: {  	s20 =	sadd.s32 s19, s6;
	[sflag:s17] =	ssyncadd.s32 $0xFFFF8000;
	(pc) =	sbr.rel @p0 .LBB2_6-.Ltmp3, $4  }
0x124: {  	[hbm4b:s20+s3] =	stream.linear.scatter [tilespmem:s25], [sflag:$0x3], $0x8000, $0x38;
	[tilespmem:$0x16400] =	vst v63  }
0x125: {  	_ =	swait.ge [sflag:s8], $0x8000  }
0x126: {  	[sflag:s8] =	ssyncset.done $0x0  }
0x127: {  	[sflag:s8] =	ssyncadd.s32 $0xFFFF8000  }
0x128: {  	v3 =	vld [tilespmem:s18+$0xFFFFFF90];
	_ =	sdelay $0x4  }
0x129: {  	v4 =	vshll.u32 v3, $0x1  }
0x12a: {  	v3 =	vand.u32 $0x7, v3;
	v4 =	vand.u32 $0xFFFFFFF0, v4  }
0x12b: {  	v3 =	vor.u32 v3, v4  }
0x12c: {  	v4 =	vperm.xlane v3, v0;
	_ =	sdelay $0x1  }
0x12d: {  	v3 =	vperm.xlane v3, v2;
	v4 =	vadd.s32 v1, v4;
	_ =	sdelay $0x1  }
0x12e: {  	v3 =	vadd.s32 v1, v3;
	_ =	sdelay $0x2  }
0x12f: {  	[tilespmem:s25], [sflag:$0x2] =	stream.indirect_vreg.gather [hbm4b:s2+s3], $0x80, v4, vm0, $0xb8;
	[tilespmem:$0x16400] =	vst v63  }
0x130: {  	_ = 	snop  }
0x131: {  	[tilespmem:s26], [sflag:$0x2] =	stream.indirect_vreg.gather [hbm4b:s2+s3], $0x80, v3, vm0, $0xb8;
	[tilespmem:$0x16400] =	vst v63  }
0x132: {  	v3 =	vld [tilespmem:s18+$0xFFFFFFA0];
	_ =	sdelay $0x4  }
0x133: {  	v57 =	vshll.u32 v3, $0x1  }
0x134: {  	v3 =	vand.u32 $0x7, v3;
	v4 =	vand.u32 $0xFFFFFFF0, v57  }
0x135: {  	v3 =	vor.u32 v3, v4  }
0x136: {  	v4 =	vperm.xlane v3, v0;
	_ =	sdelay $0x1  }
0x137: {  	v3 =	vperm.xlane v3, v2;
	v4 =	vadd.s32 v1, v4;
	_ =	sdelay $0x1  }
0x138: {  	v3 =	vadd.s32 v1, v3;
	_ =	sdelay $0x2  }
0x139: {  	[tilespmem:s28], [sflag:$0x2] =	stream.indirect_vreg.gather [hbm4b:s2+s3], $0x80, v4, vm0, $0xb8;
	[tilespmem:$0x16400] =	vst v63  }
0x13a: {  	_ = 	snop  }
0x13b: {  	[tilespmem:s29], [sflag:$0x2] =	stream.indirect_vreg.gather [hbm4b:s2+s3], $0x80, v3, vm0, $0xb8;
	[tilespmem:$0x16400] =	vst v63  }
0x13c: {  	v3 =	vld [tilespmem:s18+$0xFFFFFFB0];
	_ =	sdelay $0x4  }
0x13d: {  	v58 =	vshll.u32 v3, $0x1  }
0x13e: {  	v3 =	vand.u32 $0x7, v3;
	v4 =	vand.u32 $0xFFFFFFF0, v58  }
0x13f: {  	v3 =	vor.u32 v3, v4  }
0x140: {  	v4 =	vperm.xlane v3, v0;
	_ =	sdelay $0x1  }
0x141: {  	v3 =	vperm.xlane v3, v2;
	v4 =	vadd.s32 v1, v4;
	_ =	sdelay $0x1  }
0x142: {  	v3 =	vadd.s32 v1, v3;
	_ =	sdelay $0x2  }
0x143: {  	[tilespmem:s30], [sflag:$0x2] =	stream.indirect_vreg.gather [hbm4b:s2+s3], $0x80, v4, vm0, $0xb8;
	[tilespmem:$0x16400] =	vst v63  }
0x144: {  	_ = 	snop  }
0x145: {  	[tilespmem:s31], [sflag:$0x2] =	stream.indirect_vreg.gather [hbm4b:s2+s3], $0x80, v3, vm0, $0xb8;
	[tilespmem:$0x16400] =	vst v63  }
0x146: {  	v3 =	vld [tilespmem:s18+$0xFFFFFFC0];
	_ =	sdelay $0x4  }
0x147: {  	v59 =	vshll.u32 v3, $0x1  }
0x148: {  	v3 =	vand.u32 $0x7, v3;
	v4 =	vand.u32 $0xFFFFFFF0, v59  }
0x149: {  	v3 =	vor.u32 v3, v4  }
0x14a: {  	v4 =	vperm.xlane v3, v0;
	_ =	sdelay $0x1  }
0x14b: {  	v3 =	vperm.xlane v3, v2;
	v4 =	vadd.s32 v1, v4;
	_ =	sdelay $0x1  }
0x14c: {  	v3 =	vadd.s32 v1, v3;
	_ =	sdelay $0x2  }
0x14d: {  	[tilespmem:s1], [sflag:$0x2] =	stream.indirect_vreg.gather [hbm4b:s2+s3], $0x80, v4, vm0, $0xb8;
	[tilespmem:$0x16400] =	vst v63  }
0x14e: {  	_ = 	snop  }
0x14f: {  	[tilespmem:s0], [sflag:$0x2] =	stream.indirect_vreg.gather [hbm4b:s2+s3], $0x80, v3, vm0, $0xb8;
	[tilespmem:$0x16400] =	vst v63  }
0x150: {  	v3 =	vld [tilespmem:s18+$0xFFFFFFD0];
	_ =	sdelay $0x4  }
0x151: {  	v60 =	vshll.u32 v3, $0x1  }
0x152: {  	v3 =	vand.u32 $0x7, v3;
	v4 =	vand.u32 $0xFFFFFFF0, v60  }
0x153: {  	v3 =	vor.u32 v3, v4  }
0x154: {  	v4 =	vperm.xlane v3, v0;
	_ =	sdelay $0x1  }
0x155: {  	v3 =	vperm.xlane v3, v2;
	v4 =	vadd.s32 v1, v4;
	_ =	sdelay $0x1  }
0x156: {  	v3 =	vadd.s32 v1, v3;
	_ =	sdelay $0x2  }
0x157: {  	[tilespmem:s4], [sflag:$0x2] =	stream.indirect_vreg.gather [hbm4b:s2+s3], $0x80, v4, vm0, $0xb8;
	[tilespmem:$0x16400] =	vst v63  }
0x158: {  	_ = 	snop  }
0x159: {  	[tilespmem:s5], [sflag:$0x2] =	stream.indirect_vreg.gather [hbm4b:s2+s3], $0x80, v3, vm0, $0xb8;
	[tilespmem:$0x16400] =	vst v63  }
0x15a: {  	v3 =	vld [tilespmem:s18+$0xFFFFFFE0];
	_ =	sdelay $0x4  }
0x15b: {  	v61 =	vshll.u32 v3, $0x1  }
0x15c: {  	v3 =	vand.u32 $0x7, v3;
	v4 =	vand.u32 $0xFFFFFFF0, v61  }
0x15d: {  	v3 =	vor.u32 v3, v4  }
0x15e: {  	v4 =	vperm.xlane v3, v0;
	_ =	sdelay $0x1  }
0x15f: {  	v3 =	vperm.xlane v3, v2;
	v4 =	vadd.s32 v1, v4;
	_ =	sdelay $0x1  }
0x160: {  	v3 =	vadd.s32 v1, v3;
	_ =	sdelay $0x2  }
0x161: {  	[tilespmem:s10], [sflag:$0x2] =	stream.indirect_vreg.gather [hbm4b:s2+s3], $0x80, v4, vm0, $0xb8;
	[tilespmem:$0x16400] =	vst v63  }
0x162: {  	_ = 	snop  }
0x163: {  	[tilespmem:s11], [sflag:$0x2] =	stream.indirect_vreg.gather [hbm4b:s2+s3], $0x80, v3, vm0, $0xb8;
	[tilespmem:$0x16400] =	vst v63  }
0x164: {  	v3 =	vld [tilespmem:s18+$0xFFFFFFF0];
	_ =	sdelay $0x4  }
0x165: {  	v62 =	vshll.u32 v3, $0x1  }
0x166: {  	v3 =	vand.u32 $0x7, v3;
	v4 =	vand.u32 $0xFFFFFFF0, v62  }
0x167: {  	v3 =	vor.u32 v3, v4  }
0x168: {  	v4 =	vperm.xlane v3, v0;
	_ =	sdelay $0x1  }
0x169: {  	v3 =	vperm.xlane v3, v2;
	v4 =	vadd.s32 v1, v4;
	_ =	sdelay $0x1  }
0x16a: {  	v3 =	vadd.s32 v1, v3;
	_ =	sdelay $0x2  }
0x16b: {  	[tilespmem:s12], [sflag:$0x2] =	stream.indirect_vreg.gather [hbm4b:s2+s3], $0x80, v4, vm0, $0xb8;
	[tilespmem:$0x16400] =	vst v63  }
0x16c: {  	_ = 	snop  }
0x16d: {  	[tilespmem:s13], [sflag:$0x2] =	stream.indirect_vreg.gather [hbm4b:s2+s3], $0x80, v3, vm0, $0xb8;
	[tilespmem:$0x16400] =	vst v63  }
0x16e: {  	v3 =	vld [tilespmem:s18+$0x0];
	_ =	sdelay $0x4  }
0x16f: {  	v63 =	vshll.u32 v3, $0x1  }
0x170: {  	v3 =	vand.u32 $0x7, v3;
	v4 =	vand.u32 $0xFFFFFFF0, v63  }
0x171: {  	v3 =	vor.u32 v3, v4  }
0x172: {  	v4 =	vperm.xlane v3, v0;
	_ =	sdelay $0x1  }
0x173: {  	v3 =	vperm.xlane v3, v2;
	v4 =	vadd.s32 v1, v4;
	_ =	sdelay $0x1  }
0x174: {  	v3 =	vadd.s32 v1, v3  }
.Ltmp4:
0x175: {  	_ = 	snop;
	(pc) =	sbr.rel .LBB2_2-.Ltmp4, $4  }
0x176: {  	_ = 	snop  }
0x177: {  	[tilespmem:s14], [sflag:$0x2] =	stream.indirect_vreg.gather [hbm4b:s2+s3], $0x80, v4, vm0, $0xb8;
	[tilespmem:$0x16400] =	vst v63  }
0x178: {  	s19 =	sadd.s32 $0x2000, s19;
	s18 =	sadd.s32 $0x100, s18  }
0x179: {  	[tilespmem:s15], [sflag:$0x2] =	stream.indirect_vreg.gather [hbm4b:s2+s3], $0x80, v3, vm0, $0xb8;
	[tilespmem:$0x16400] =	vst v63  }
.LBB2_7:
0x17a: {  	_ =	sfence.sel $0x180000  }
0x17b: {  	[bflag:$0x0] =	sbarrier.arrive $0xFFFF  }
0x17c: {  	_ =	strace $0x90000047  }
0x17d: {  	s0 =	stileid.u32;
	[bflag:$0x2] =	sbarrier.arrive $0xFFFF  }
0x17e: {  	p0 =	sne.s32 s0, $0x0;
	s0 =	rddreg [dreg:$0x3]  }
0x17f: {  	s0 =	sadd.s32 @!p0 $0x100000, s0  }
0x180: {  	[sflag:s0] =	ssyncadd.tile.s32 @!p0 $0x1;
	_ =	shalt  }
.Lfunc_end2:
_tile_overlayer_lowered:
.L_overlay_start_2:
0x181: {  	(tag) =	ssettag $0x2  }
0x182: {  	s0 =	rddreg [dreg:$0x0];
	s2 =	stileid.u32  }
0x183: {  	s1 =	rddreg [dreg:$0x1];
	p0 =	sne.s32 s2, $0x0  }
0x184: {  	s3 =	rddreg [dreg:$0x2];
	[bflag:$0x3] =	sbarrier.arrive $0xFFFF;
	s2 =	simm.s32 @!p0 $0x1C03  }
0x185: {  	[timem:s3], [sflag:s2] =	dma.local @!p0 [hbm:s0], s1  }
0x186: {  	s0 =	simm.s32 @!p0 $0x3  }
0x187: {  	_ =	swait.ge @!p0 [sflag:s0], s1  }
0x188: {  	s1 =	ssub.s32 @!p0 $0x0, s1;
	[sflag:s0] =	ssyncset.done @!p0 $0x0  }
0x189: {  	[sflag:s0] =	ssyncadd.s32 @!p0 s1  }
0x18a: {  	[bflag:$0x3] =	sbarrier.arrive $0xFFFF  }
0x18b: {  	_ =	shalt  }

</sc_bundles>
